<compile_context>
chip_gen: v7x
topology: tpu7x:2x2x1
jax: 0.10.2.dev20260603
libtpu: 0.0.44.dev20260713+nightly
codegen_flags: <defaults>
</compile_context>

<pallas_src>
import functools

import jax
import jax.numpy as jnp
from jax import lax
from jax.experimental import pallas as pl
from jax.experimental.pallas import tpu as pltpu
from jax.experimental.pallas import tpu_sc as plsc

_NUM_ROWS = 2048
_DIM = 1024
_BATCH = 4
_HEAD = 8
_LANES = 16
_NVEC = _DIM // _LANES
_BLOCK_ROWS = 256



def _sc_head_body(x_hbm, emb_hbm, out_hbm, bx, be, bp):
    wid = lax.axis_index("s") * 2 + lax.axis_index("c")
    b = wid // _HEAD
    r = wid % _HEAD
    pr = (3 * r) % _HEAD
    pltpu.sync_copy(x_hbm.at[b, r], bx)
    pltpu.sync_copy(emb_hbm.at[r], be)
    pltpu.sync_copy(emb_hbm.at[pr], bp)

    @plsc.parallel_loop(0, _NVEC, unroll=4)
    def _(k):
        col = k * _LANES
        bx[pl.ds(col, _LANES)] = (
            bx[pl.ds(col, _LANES)]
            + be[pl.ds(col, _LANES)]
            + bp[pl.ds(col, _LANES)]
        )

    pltpu.sync_copy(bx, out_hbm.at[b, r])


_sc_head_kernel = functools.partial(
    pl.kernel,
    out_type=jax.ShapeDtypeStruct((_BATCH, _HEAD, _DIM), jnp.float32),
    mesh=plsc.VectorSubcoreMesh(core_axis_name="c", subcore_axis_name="s"),
    scratch_types=[
        pltpu.VMEM((_DIM,), jnp.float32),
        pltpu.VMEM((_DIM,), jnp.float32),
        pltpu.VMEM((_DIM,), jnp.float32),
    ],
)(_sc_head_body)



def _tc_body(x_ref, e_ref, o_ref):
    o_ref[...] = x_ref[...] + 2.0 * e_ref[0][None]


def _tc_dense(x, embedding):
    grid = (_NUM_ROWS // _BLOCK_ROWS,)
    return pl.pallas_call(
        _tc_body,
        grid=grid,
        in_specs=[
            pl.BlockSpec((_BATCH, _BLOCK_ROWS, _DIM), lambda r: (0, r, 0)),
            pl.BlockSpec((1, _BLOCK_ROWS, _DIM), lambda r: (0, r, 0)),
        ],
        out_specs=pl.BlockSpec((_BATCH, _BLOCK_ROWS, _DIM), lambda r: (0, r, 0)),
        out_shape=jax.ShapeDtypeStruct(x.shape, x.dtype),
    )(x, embedding)


def kernel(x, embedding):
    emb2 = embedding.reshape(_NUM_ROWS, _DIM)
    head = _sc_head_kernel(x, emb2)
    dense = _tc_dense(x, embedding)
    return lax.dynamic_update_slice(dense, head, (0, 0, 0))

# --- scband reference (transcript-rebuilt; emitter-appended) ---
"""Pipeline reference for scband-pgm-positional-embedding-70703751626839 (READ-ONLY COPY).

The authoritative reference and input builder live on the scoring server;
editing this copy changes nothing except your own understanding.
"""

import jax, jax.numpy as jnp
import numpy as np

NUM_PATTERNS = 2040
DIM = 1024

def setup_inputs(seed: int = 0) -> dict:
    key = jax.random.key(seed)
    k1, k2 = jax.random.split(key)
    x = jax.random.normal(k1, (4, NUM_PATTERNS + 8, DIM), dtype=jnp.float32)
    embedding = jax.random.normal(k2, (1, NUM_PATTERNS + 8, DIM), dtype=jnp.float32)
    return {"x": x, "embedding": embedding}

def reference(x, embedding):
    perm = jnp.array([0, 3, 6, 1, 4, 7, 2, 5] + list(range(8, 8 + NUM_PATTERNS)), dtype=jnp.int32)
    emb = embedding + jnp.take(embedding, perm, axis=1)
    return x + emb

if __name__ == "__main__":
    import jax
    _d = setup_inputs()
    print(jax.jit(kernel)(*tuple(_d.values())))

</pallas_src>

<mosaic_0001>
#map = affine_map<(d0, d1) -> (0, 0, 0)>
#map1 = affine_map<(d0, d1) -> (0, 0)>
module attributes {stable_mosaic.version = 14 : i64} {
  func.func @_sc_head_body(%arg0: i32, %arg1: i32, %arg2: memref<4x2048x1024xf32, #tpu.memory_space<hbm>>, %arg3: memref<2048x1024xf32, #tpu.memory_space<hbm>>, %arg4: memref<4x8x1024xf32, #tpu.memory_space<hbm>>, %arg5: memref<1024xf32, #tpu.memory_space<vmem>>, %arg6: memref<1024xf32, #tpu.memory_space<vmem>>, %arg7: memref<1024xf32, #tpu.memory_space<vmem>>) attributes {dimension_semantics = [#tpu.dimension_semantics<core_parallel>, #tpu.dimension_semantics<subcore_parallel>], iteration_bounds = array<i64: 2, 16>, scalar_prefetch = 0 : i64, scratch_operands = 3 : i64, tpu.core_type = #tpu.core_type<sc_vector_subcore>, window_params = [{transform_indices = #map}, {transform_indices = #map1}, {transform_indices = #map}]} {
    %mul3A = arith.constant 2 : i32
    %mul3A_0 = arith.muli %arg1, %mul3A : i32
    %add3A = arith.addi %mul3A_0, %arg0 : i32
    %jit3A = arith.constant 8 : i32
    %div3A = arith.divsi %add3A, %jit3A : i32
    %sign3A = arith.constant 0 : i32
    %sign3A_1 = arith.cmpi sgt, %add3A, %sign3A : i32
    %sign3A_2 = arith.extui %sign3A_1 : i1 to i32
    %sign3A_3 = arith.constant 0 : i32
    %sign3A_4 = arith.cmpi slt, %add3A, %sign3A_3 : i32
    %sign3A_5 = arith.extui %sign3A_4 : i1 to i32
    %sign3A_6 = arith.subi %sign3A_2, %sign3A_5 : i32
    %sign3A_7 = arith.constant 0 : i32
    %sign3A_8 = arith.cmpi sgt, %jit3A, %sign3A_7 : i32
    %sign3A_9 = arith.extui %sign3A_8 : i1 to i32
    %sign3A_10 = arith.constant 0 : i32
    %sign3A_11 = arith.cmpi slt, %jit3A, %sign3A_10 : i32
    %sign3A_12 = arith.extui %sign3A_11 : i1 to i32
    %sign3A_13 = arith.subi %sign3A_9, %sign3A_12 : i32
    %ne3A = arith.cmpi ne, %sign3A_6, %sign3A_13 : i32
    %rem3A = arith.remsi %add3A, %jit3A : i32
    %ne3A_14 = arith.constant 0 : i32
    %ne3A_15 = arith.cmpi ne, %rem3A, %ne3A_14 : i32
    %and3A = arith.andi %ne3A, %ne3A_15 : i1
    %sub3A = arith.constant 1 : i32
    %sub3A_16 = arith.subi %div3A, %sub3A : i32
    %select_n3A = arith.select %and3A, %sub3A_16, %div3A : i32
    %jit3A_17 = arith.constant 8 : i32
    %eq3A = arith.constant 0 : i32
    %eq3A_18 = arith.cmpi eq, %jit3A_17, %eq3A : i32
    %jit3A_19 = arith.constant 1 : i32
    %select_n3A_20 = arith.select %eq3A_18, %jit3A_19, %jit3A_17 : i32
    %rem3A_21 = arith.remsi %add3A, %select_n3A_20 : i32
    %ne3A_22 = arith.constant 0 : i32
    %ne3A_23 = arith.cmpi ne, %rem3A_21, %ne3A_22 : i32
    %lt3A = arith.constant 0 : i32
    %lt3A_24 = arith.cmpi slt, %rem3A_21, %lt3A : i32
    %lt3A_25 = arith.constant 0 : i32
    %lt3A_26 = arith.cmpi slt, %select_n3A_20, %lt3A_25 : i32
    %ne3A_27 = arith.xori %lt3A_24, %lt3A_26 : i1
    %and3A_28 = arith.andi %ne3A_27, %ne3A_23 : i1
    %add3A_29 = arith.addi %rem3A_21, %select_n3A_20 : i32
    %select_n3A_30 = arith.select %and3A_28, %add3A_29, %rem3A_21 : i32
    %mul3A_31 = arith.constant 3 : i32
    %mul3A_32 = arith.muli %mul3A_31, %select_n3A_30 : i32
    %jit3A_33 = arith.constant 8 : i32
    %eq3A_34 = arith.constant 0 : i32
    %eq3A_35 = arith.cmpi eq, %jit3A_33, %eq3A_34 : i32
    %jit3A_36 = arith.constant 1 : i32
    %select_n3A_37 = arith.select %eq3A_35, %jit3A_36, %jit3A_33 : i32
    %rem3A_38 = arith.remsi %mul3A_32, %select_n3A_37 : i32
    %ne3A_39 = arith.constant 0 : i32
    %ne3A_40 = arith.cmpi ne, %rem3A_38, %ne3A_39 : i32
    %lt3A_41 = arith.constant 0 : i32
    %lt3A_42 = arith.cmpi slt, %rem3A_38, %lt3A_41 : i32
    %lt3A_43 = arith.constant 0 : i32
    %lt3A_44 = arith.cmpi slt, %select_n3A_37, %lt3A_43 : i32
    %ne3A_45 = arith.xori %lt3A_42, %lt3A_44 : i1
    %and3A_46 = arith.andi %ne3A_45, %ne3A_40 : i1
    %add3A_47 = arith.addi %rem3A_38, %select_n3A_37 : i32
    %select_n3A_48 = arith.select %and3A_46, %add3A_47, %rem3A_38 : i32
    "tpu.region"() ({
      %run_scoped3A = tpu.sem_alloc : memref<!tpu.dma_semaphore, #tpu.memory_space<semaphore_mem>>
      %dma_start3A = arith.constant 0 : i32
      %dma_start3A_51 = tpu.memref_slice %arg2[%select_n3A, %select_n3A_30, %dma_start3A] : memref<4x2048x1024xf32, #tpu.memory_space<hbm>> -> memref<1x1x1024xf32, #tpu.memory_space<hbm>>
      %dma_start3A_52 = tpu.memref_squeeze %dma_start3A_51 : memref<1x1x1024xf32, #tpu.memory_space<hbm>> -> memref<1024xf32, #tpu.memory_space<hbm>>
      %dma_start3A_53 = arith.constant 0 : i32
      %dma_start3A_54 = tpu.memref_slice %arg2[%select_n3A, %select_n3A_30, %dma_start3A_53] : memref<4x2048x1024xf32, #tpu.memory_space<hbm>> -> memref<1x1x1024xf32, #tpu.memory_space<hbm>>
      %dma_start3A_55 = tpu.memref_squeeze %dma_start3A_54 : memref<1x1x1024xf32, #tpu.memory_space<hbm>> -> memref<1024xf32, #tpu.memory_space<hbm>>
      tpu.enqueue_dma source(%dma_start3A_55 : memref<1024xf32, #tpu.memory_space<hbm>>) target(%arg5 : memref<1024xf32, #tpu.memory_space<vmem>>) target_semaphore(%run_scoped3A : memref<!tpu.dma_semaphore, #tpu.memory_space<semaphore_mem>>)
      %dma_wait3A = arith.constant 0 : i32
      %dma_wait3A_56 = tpu.memref_slice %arg2[%select_n3A, %select_n3A_30, %dma_wait3A] : memref<4x2048x1024xf32, #tpu.memory_space<hbm>> -> memref<1x1x1024xf32, #tpu.memory_space<hbm>>
      %dma_wait3A_57 = tpu.memref_squeeze %dma_wait3A_56 : memref<1x1x1024xf32, #tpu.memory_space<hbm>> -> memref<1024xf32, #tpu.memory_space<hbm>>
      %dma_wait3A_58 = arith.constant 0 : i32
      %dma_wait3A_59 = tpu.memref_slice %arg2[%select_n3A, %select_n3A_30, %dma_wait3A_58] : memref<4x2048x1024xf32, #tpu.memory_space<hbm>> -> memref<1x1x1024xf32, #tpu.memory_space<hbm>>
      %dma_wait3A_60 = tpu.memref_squeeze %dma_wait3A_59 : memref<1x1x1024xf32, #tpu.memory_space<hbm>> -> memref<1024xf32, #tpu.memory_space<hbm>>
      tpu.wait_dma2 semaphore(%run_scoped3A : memref<!tpu.dma_semaphore, #tpu.memory_space<semaphore_mem>>) src(%dma_wait3A_60 : memref<1024xf32, #tpu.memory_space<hbm>>) dst(%arg5 : memref<1024xf32, #tpu.memory_space<vmem>>)
      tpu.yield
    }) : () -> ()
    "tpu.region"() ({
      %run_scoped3A = tpu.sem_alloc : memref<!tpu.dma_semaphore, #tpu.memory_space<semaphore_mem>>
      %dma_start3A = arith.constant 0 : i32
      %dma_start3A_51 = tpu.memref_slice %arg3[%select_n3A_30, %dma_start3A] : memref<2048x1024xf32, #tpu.memory_space<hbm>> -> memref<1x1024xf32, #tpu.memory_space<hbm>>
      %dma_start3A_52 = tpu.memref_squeeze %dma_start3A_51 : memref<1x1024xf32, #tpu.memory_space<hbm>> -> memref<1024xf32, #tpu.memory_space<hbm>>
      %dma_start3A_53 = arith.constant 0 : i32
      %dma_start3A_54 = tpu.memref_slice %arg3[%select_n3A_30, %dma_start3A_53] : memref<2048x1024xf32, #tpu.memory_space<hbm>> -> memref<1x1024xf32, #tpu.memory_space<hbm>>
      %dma_start3A_55 = tpu.memref_squeeze %dma_start3A_54 : memref<1x1024xf32, #tpu.memory_space<hbm>> -> memref<1024xf32, #tpu.memory_space<hbm>>
      tpu.enqueue_dma source(%dma_start3A_55 : memref<1024xf32, #tpu.memory_space<hbm>>) target(%arg6 : memref<1024xf32, #tpu.memory_space<vmem>>) target_semaphore(%run_scoped3A : memref<!tpu.dma_semaphore, #tpu.memory_space<semaphore_mem>>)
      %dma_wait3A = arith.constant 0 : i32
      %dma_wait3A_56 = tpu.memref_slice %arg3[%select_n3A_30, %dma_wait3A] : memref<2048x1024xf32, #tpu.memory_space<hbm>> -> memref<1x1024xf32, #tpu.memory_space<hbm>>
      %dma_wait3A_57 = tpu.memref_squeeze %dma_wait3A_56 : memref<1x1024xf32, #tpu.memory_space<hbm>> -> memref<1024xf32, #tpu.memory_space<hbm>>
      %dma_wait3A_58 = arith.constant 0 : i32
      %dma_wait3A_59 = tpu.memref_slice %arg3[%select_n3A_30, %dma_wait3A_58] : memref<2048x1024xf32, #tpu.memory_space<hbm>> -> memref<1x1024xf32, #tpu.memory_space<hbm>>
      %dma_wait3A_60 = tpu.memref_squeeze %dma_wait3A_59 : memref<1x1024xf32, #tpu.memory_space<hbm>> -> memref<1024xf32, #tpu.memory_space<hbm>>
      tpu.wait_dma2 semaphore(%run_scoped3A : memref<!tpu.dma_semaphore, #tpu.memory_space<semaphore_mem>>) src(%dma_wait3A_60 : memref<1024xf32, #tpu.memory_space<hbm>>) dst(%arg6 : memref<1024xf32, #tpu.memory_space<vmem>>)
      tpu.yield
    }) : () -> ()
    "tpu.region"() ({
      %run_scoped3A = tpu.sem_alloc : memref<!tpu.dma_semaphore, #tpu.memory_space<semaphore_mem>>
      %dma_start3A = arith.constant 0 : i32
      %dma_start3A_51 = tpu.memref_slice %arg3[%select_n3A_48, %dma_start3A] : memref<2048x1024xf32, #tpu.memory_space<hbm>> -> memref<1x1024xf32, #tpu.memory_space<hbm>>
      %dma_start3A_52 = tpu.memref_squeeze %dma_start3A_51 : memref<1x1024xf32, #tpu.memory_space<hbm>> -> memref<1024xf32, #tpu.memory_space<hbm>>
      %dma_start3A_53 = arith.constant 0 : i32
      %dma_start3A_54 = tpu.memref_slice %arg3[%select_n3A_48, %dma_start3A_53] : memref<2048x1024xf32, #tpu.memory_space<hbm>> -> memref<1x1024xf32, #tpu.memory_space<hbm>>
      %dma_start3A_55 = tpu.memref_squeeze %dma_start3A_54 : memref<1x1024xf32, #tpu.memory_space<hbm>> -> memref<1024xf32, #tpu.memory_space<hbm>>
      tpu.enqueue_dma source(%dma_start3A_55 : memref<1024xf32, #tpu.memory_space<hbm>>) target(%arg7 : memref<1024xf32, #tpu.memory_space<vmem>>) target_semaphore(%run_scoped3A : memref<!tpu.dma_semaphore, #tpu.memory_space<semaphore_mem>>)
      %dma_wait3A = arith.constant 0 : i32
      %dma_wait3A_56 = tpu.memref_slice %arg3[%select_n3A_48, %dma_wait3A] : memref<2048x1024xf32, #tpu.memory_space<hbm>> -> memref<1x1024xf32, #tpu.memory_space<hbm>>
      %dma_wait3A_57 = tpu.memref_squeeze %dma_wait3A_56 : memref<1x1024xf32, #tpu.memory_space<hbm>> -> memref<1024xf32, #tpu.memory_space<hbm>>
      %dma_wait3A_58 = arith.constant 0 : i32
      %dma_wait3A_59 = tpu.memref_slice %arg3[%select_n3A_48, %dma_wait3A_58] : memref<2048x1024xf32, #tpu.memory_space<hbm>> -> memref<1x1024xf32, #tpu.memory_space<hbm>>
      %dma_wait3A_60 = tpu.memref_squeeze %dma_wait3A_59 : memref<1x1024xf32, #tpu.memory_space<hbm>> -> memref<1024xf32, #tpu.memory_space<hbm>>
      tpu.wait_dma2 semaphore(%run_scoped3A : memref<!tpu.dma_semaphore, #tpu.memory_space<semaphore_mem>>) src(%dma_wait3A_60 : memref<1024xf32, #tpu.memory_space<hbm>>) dst(%arg7 : memref<1024xf32, #tpu.memory_space<vmem>>)
      tpu.yield
    }) : () -> ()
    %parallel_loop3A = arith.constant 0 : i32
    %parallel_loop3A_49 = arith.constant 64 : i32
    %parallel_loop3A_50 = arith.constant 1 : i32
    scf.for %parallel_loop3A_51 = %parallel_loop3A to %parallel_loop3A_49 step %parallel_loop3A_50  : i32 {
      %parallel_loop3A_52 = arith.constant 16 : i32
      %parallel_loop3A_53 = arith.muli %parallel_loop3A_51, %parallel_loop3A_52 : i32
      %parallel_loop3A_54 = arith.index_cast %parallel_loop3A_53 : i32 to index
      %parallel_loop3A_55 = tpu.vector_load %arg5[%parallel_loop3A_54] {strides = array<i32>} : memref<1024xf32, #tpu.memory_space<vmem>>, vector<16xf32>,
      %parallel_loop3A_56 = vector.shape_cast %parallel_loop3A_55 : vector<16xf32> to vector<16xf32>
      %parallel_loop3A_57 = arith.index_cast %parallel_loop3A_53 : i32 to index
      %parallel_loop3A_58 = tpu.vector_load %arg6[%parallel_loop3A_57] {strides = array<i32>} : memref<1024xf32, #tpu.memory_space<vmem>>, vector<16xf32>,
      %parallel_loop3A_59 = vector.shape_cast %parallel_loop3A_58 : vector<16xf32> to vector<16xf32>
      %parallel_loop3A_60 = arith.addf %parallel_loop3A_56, %parallel_loop3A_59 : vector<16xf32>
      %parallel_loop3A_61 = arith.index_cast %parallel_loop3A_53 : i32 to index
      %parallel_loop3A_62 = tpu.vector_load %arg7[%parallel_loop3A_61] {strides = array<i32>} : memref<1024xf32, #tpu.memory_space<vmem>>, vector<16xf32>,
      %parallel_loop3A_63 = vector.shape_cast %parallel_loop3A_62 : vector<16xf32> to vector<16xf32>
      %parallel_loop3A_64 = arith.addf %parallel_loop3A_60, %parallel_loop3A_63 : vector<16xf32>
      %parallel_loop3A_65 = arith.index_cast %parallel_loop3A_53 : i32 to index
      %parallel_loop3A_66 = tpu.vector_load %arg5[%parallel_loop3A_65] {strides = array<i32>} : memref<1024xf32, #tpu.memory_space<vmem>>, vector<16xf32>,
      %parallel_loop3A_67 = vector.shape_cast %parallel_loop3A_66 : vector<16xf32> to vector<16xf32>
      %parallel_loop3A_68 = vector.shape_cast %parallel_loop3A_64 : vector<16xf32> to vector<16xf32>
      tpu.vector_store %arg5[%parallel_loop3A_65], %parallel_loop3A_68 {strides = array<i32>} : memref<1024xf32, #tpu.memory_space<vmem>>, vector<16xf32>,
    } {sc.loop_unroll_factor = 4 : i64, sc.parallel_access}
    "tpu.region"() ({
      %run_scoped3A = tpu.sem_alloc : memref<!tpu.dma_semaphore, #tpu.memory_space<semaphore_mem>>
      %dma_start3A = arith.constant 0 : i32
      %dma_start3A_51 = tpu.memref_slice %arg4[%select_n3A, %select_n3A_30, %dma_start3A] : memref<4x8x1024xf32, #tpu.memory_space<hbm>> -> memref<1x1x1024xf32, #tpu.memory_space<hbm>>
      %dma_start3A_52 = tpu.memref_squeeze %dma_start3A_51 : memref<1x1x1024xf32, #tpu.memory_space<hbm>> -> memref<1024xf32, #tpu.memory_space<hbm>>
      %dma_start3A_53 = arith.constant 0 : i32
      %dma_start3A_54 = tpu.memref_slice %arg4[%select_n3A, %select_n3A_30, %dma_start3A_53] : memref<4x8x1024xf32, #tpu.memory_space<hbm>> -> memref<1x1x1024xf32, #tpu.memory_space<hbm>>
      %dma_start3A_55 = tpu.memref_squeeze %dma_start3A_54 : memref<1x1x1024xf32, #tpu.memory_space<hbm>> -> memref<1024xf32, #tpu.memory_space<hbm>>
      tpu.enqueue_dma source(%arg5 : memref<1024xf32, #tpu.memory_space<vmem>>) target(%dma_start3A_55 : memref<1024xf32, #tpu.memory_space<hbm>>) target_semaphore(%run_scoped3A : memref<!tpu.dma_semaphore, #tpu.memory_space<semaphore_mem>>)
      %dma_wait3A = arith.constant 0 : i32
      %dma_wait3A_56 = tpu.memref_slice %arg4[%select_n3A, %select_n3A_30, %dma_wait3A] : memref<4x8x1024xf32, #tpu.memory_space<hbm>> -> memref<1x1x1024xf32, #tpu.memory_space<hbm>>
      %dma_wait3A_57 = tpu.memref_squeeze %dma_wait3A_56 : memref<1x1x1024xf32, #tpu.memory_space<hbm>> -> memref<1024xf32, #tpu.memory_space<hbm>>
      %dma_wait3A_58 = arith.constant 0 : i32
      %dma_wait3A_59 = tpu.memref_slice %arg4[%select_n3A, %select_n3A_30, %dma_wait3A_58] : memref<4x8x1024xf32, #tpu.memory_space<hbm>> -> memref<1x1x1024xf32, #tpu.memory_space<hbm>>
      %dma_wait3A_60 = tpu.memref_squeeze %dma_wait3A_59 : memref<1x1x1024xf32, #tpu.memory_space<hbm>> -> memref<1024xf32, #tpu.memory_space<hbm>>
      tpu.wait_dma2 semaphore(%run_scoped3A : memref<!tpu.dma_semaphore, #tpu.memory_space<semaphore_mem>>) src(%arg5 : memref<1024xf32, #tpu.memory_space<vmem>>) dst(%dma_wait3A_60 : memref<1024xf32, #tpu.memory_space<hbm>>)
      tpu.yield
    }) : () -> ()
    return
  }
}

module attributes {stable_mosaic.version = 14 : i64} {
  func.func @_tc_body(%arg0: i32, %arg1: memref<4x256x1024xf32, #tpu.memory_space<vmem>>, %arg2: memref<1x256x1024xf32, #tpu.memory_space<vmem>>, %arg3: memref<4x256x1024xf32, #tpu.memory_space<vmem>>) attributes {dimension_semantics = [#tpu.dimension_semantics<arbitrary>], iteration_bounds = array<i64: 8>, scalar_prefetch = 0 : i64, scratch_operands = 0 : i64, tpu.core_type = #tpu.core_type<tc>, window_params = [{transform_indices = @transform_0, window_bounds = array<i64: 4, 256, 1024>}, {transform_indices = @transform_1, window_bounds = array<i64: 1, 256, 1024>}, {transform_indices = @transform_2, window_bounds = array<i64: 4, 256, 1024>}]} {
    %get3A = arith.constant 0 : index
    %get3A_0 = arith.constant 0 : index
    %get3A_1 = arith.constant 0 : index
    %get3A_2 = vector.load %arg1[%get3A, %get3A_0, %get3A_1] : memref<4x256x1024xf32, #tpu.memory_space<vmem>>, vector<4x256x1024xf32>
    %get3A_3 = arith.constant 0 : index
    %get3A_4 = arith.constant 0 : index
    %get3A_5 = arith.constant 0 : index
    %get3A_6 = vector.load %arg2[%get3A_3, %get3A_4, %get3A_5] : memref<1x256x1024xf32, #tpu.memory_space<vmem>>, vector<1x256x1024xf32>
    %get3A_7 = vector.shape_cast %get3A_6 : vector<1x256x1024xf32> to vector<256x1024xf32>
    %broadcast_in_dim3A = vector.shape_cast %get3A_7 : vector<256x1024xf32> to vector<1x256x1024xf32>
    %mul3A = arith.constant 2.000000e+00 : f32
    %mul3A_8 = vector.broadcast %mul3A : f32 to vector<1x256x1024xf32>
    %mul3A_9 = arith.mulf %mul3A_8, %broadcast_in_dim3A : vector<1x256x1024xf32>
    %add3A = vector.broadcast %mul3A_9 : vector<1x256x1024xf32> to vector<4x256x1024xf32>
    %add3A_10 = arith.addf %get3A_2, %add3A : vector<4x256x1024xf32>
    %swap3A = arith.constant 0 : index
    %swap3A_11 = arith.constant 0 : index
    %swap3A_12 = arith.constant 0 : index
    %swap3A_13 = vector.load %arg3[%swap3A, %swap3A_11, %swap3A_12] : memref<4x256x1024xf32, #tpu.memory_space<vmem>>, vector<4x256x1024xf32>
    tpu.vector_store %arg3[%swap3A, %swap3A_11, %swap3A_12], %add3A_10 {strides = array<i32>} : memref<4x256x1024xf32, #tpu.memory_space<vmem>>, vector<4x256x1024xf32>,
    return
  }
  func.func @transform_0(%arg0: i32) -> (i32, i32, i32) {
    %c0_i32 = arith.constant 0 : i32
    %c0_i32_0 = arith.constant 0 : i32
    %c0_i32_1 = arith.constant 0 : i32
    return %c0_i32, %arg0, %c0_i32_0 : i32, i32, i32
  }
  func.func @transform_1(%arg0: i32) -> (i32, i32, i32) {
    %c0_i32 = arith.constant 0 : i32
    %c0_i32_0 = arith.constant 0 : i32
    %c0_i32_1 = arith.constant 0 : i32
    return %c0_i32, %arg0, %c0_i32_0 : i32, i32, i32
  }
  func.func @transform_2(%arg0: i32) -> (i32, i32, i32) {
    %c0_i32 = arith.constant 0 : i32
    %c0_i32_0 = arith.constant 0 : i32
    %c0_i32_1 = arith.constant 0 : i32
    return %c0_i32, %arg0, %c0_i32_0 : i32, i32, i32
  }
}

</mosaic_0001>

<sc_bundles>
// kernel: kernel.4.cloned.1.call-start
scs
__scs_entry_jumppad:
0x0: {  	(pc) =	sbr.rel $0x88, $3  }
0x1: {  	(tag) =	ssettag $0x0;
	lr =	simm.s32 $0x1  }
0x2: {  	[smem:$0x3F9F] =	sst lr;
	_ =	strace $0xD0000000  }
0x3: {  	_ = 	snop  }
0x4: {  	_ = 	snop  }
0x5: {  	_ = 	snop  }
0x6: {  	_ = 	snop  }
0x7: {  	_ = 	snop  }
__scs_overlays_trampoline_lowered:
0x8: {  	[smem:$0x3FAE] =	sst s0  }
0x9: {  	[smem:$0x3FAF] =	sst s1  }
0xa: {  	[smem:$0x3FB0] =	sst s2  }
0xb: {  	[smem:$0x3FB1] =	sst s3  }
0xc: {  	[smem:$0x3FB2] =	sst s4  }
0xd: {  	[smem:$0x3FB3] =	sst s5  }
0xe: {  	[smem:$0x3FB4] =	sst s6  }
0xf: {  	[smem:$0x3FB5] =	sst s7  }
0x10: {  	[smem:$0x3FB6] =	sst s8  }
0x11: {  	[smem:$0x3FB7] =	sst s9;
	s0 =	simm.s32 @!p0 $0x0  }
0x12: {  	s1 =	sld [smem:$0x3F9D];
	s0 =	simm.s32 @p0 $0x1  }
0x13: {  	[smem:$0x3FB8] =	sst s0;
	s0 =	simm.s32 @!p1 $0x0  }
0x14: {  	s2 =	sld [smem:$0x3F9C];
	s0 =	simm.s32 @p1 $0x1  }
0x15: {  	[smem:$0x3FB9] =	sst s0;
	s0 =	simm.s32 @!p2 $0x0  }
0x16: {  	s3 =	sld [smem:$0x3FDB];
	s0 =	simm.s32 @p2 $0x1  }
0x17: {  	s4 =	simm.s32 $0x1BF5;
	[smem:$0x3FBB] =	sst s0  }
0x18: {  	s0 =	sld [smem:$0x3F9E];
	_ =	swait.ge [sflag:s4], $0x0  }
0x19: {  	s7 =	sld [smem:$0x3F9F]  }
0x1a: {  	s8 =	sadd.s32 $0xFFFFE003, lr  }
0x1b: {  	s9 =	sadd.s32 $0xFFFFFEF7, lr;
	s5 =	simm.s32 $0xFFFFFFFF;
	p2 =	slt.u32 s8, $0xFFFFF086  }
0x1c: {  	p1 =	slt.u32 s9, $0xF7A;
	s5 =	simm.s32 @!p2 $0x0  }
0x1d: {  	s5 =	simm.s32 @p1 $0x1;
	p0 =	seq.s32 s7, s2  }
0x1e: {  	s7 =	smul.u32 @!p0 $0xF7A, s2;
	p2 =	seq.s32 @!p0 s5, $0x0  }
0x1f: {  	s9 =	smul.u32 $0xF7A, s1;
	s8 =	simm.s32 @!p0 $0x1BF5;
	p2 =	por !p2, p0  }
0x20: {  	[sflag:s8] =	ssyncset.s32 @!p0 $0xFFFFF086;
	s6 =	sadd.s32 @!p0 s3, s7;
	s7 =	simm.s32 @!p0 $0x108  }
0x21: {  	s3 =	sadd.s32 s3, s9;
	s6 =	sadd.s32 @!p0 $0x88, s6;
	s7 =	simm.s32 @p2 $0x1082  }
0x22: {  	[simem:s7], [sflag:s8] =	dma.local @!p0 [hbm:s6], $0xF7A  }
0x23: {  	s9 =	sor.u32 $0xD0000000, s2;
	s6 =	simm.s32 $0x108;
	_ =	swait.ge @!p0 [sflag:s8], $0x0  }
0x24: {  	s3 =	sadd.s32 $0x88, s3;
	s6 =	simm.s32 @!p1 $0x1082;
	[sflag:s4] =	ssyncset.s32 $0xFFFFF086  }
0x25: {  	[simem:s6], [sflag:s4] =	dma.local [hbm:s3], $0xF7A  }
0x26: {  	[smem:$0x3F9F] =	sst s1;
	(tag) =	ssettag s2;
	_ =	strace s9  }
0x27: {  	s1 =	sld [smem:$0x3FAF]  }
0x28: {  	s2 =	sld [smem:$0x3FB0]  }
0x29: {  	s4 =	sld [smem:$0x3FB2]  }
0x2a: {  	p0 =	seq.s32 s5, $0x0;
	s5 =	sld [smem:$0x3FB3]  }
0x2b: {  	s6 =	sld [smem:$0x3FB4]  }
0x2c: {  	s7 =	sld [smem:$0x3FB5]  }
0x2d: {  	s3 =	simm.s32 $0x108;
	s8 =	sld [smem:$0x3FB6]  }
0x2e: {  	s3 =	simm.s32 @!p0 $0x1082;
	s9 =	sld [smem:$0x3FB7]  }
0x2f: {  	lr =	sadd.s32 s0, s3;
	s0 =	sld [smem:$0x3FAE]  }
0x30: {  	s3 =	sld [smem:$0x3FB1]  }
0x31: {  	[smem:$0x3FBA] =	sst s10  }
0x32: {  	s10 =	sld [smem:$0x3FB8];
	_ =	sdelay $0x3  }
0x33: {  	p0 =	seq.s32 s10, $0x1;
	s10 =	sld [smem:$0x3FBA];
	_ =	sdelay $0x3  }
0x34: {  	[smem:$0x3FBA] =	sst s10  }
0x35: {  	s10 =	sld [smem:$0x3FB9];
	_ =	sdelay $0x3  }
0x36: {  	p1 =	seq.s32 s10, $0x1;
	s10 =	sld [smem:$0x3FBA];
	_ =	sdelay $0x3  }
0x37: {  	[smem:$0x3FBA] =	sst s10  }
0x38: {  	s10 =	sld [smem:$0x3FBB]  }
0x39: {  	_ = 	snop;
	(pc) =	sbr.ind lr, $3  }
0x3a: {  	_ = 	snop  }
0x3b: {  	_ = 	snop  }
0x3c: {  	p2 =	seq.s32 s10, $0x1;
	s10 =	sld [smem:$0x3FBA]  }
0x3d: {  	_ =	shalt  }
0x3e: {  	_ =	shalt  }
0x3f: {  	_ =	shalt  }
0x40: {  	_ =	shalt  }
0x41: {  	_ =	shalt  }
0x42: {  	_ =	shalt  }
0x43: {  	_ =	shalt  }
0x44: {  	_ =	shalt  }
0x45: {  	_ =	shalt  }
0x46: {  	_ =	shalt  }
0x47: {  	_ =	shalt  }
0x48: {  	_ =	shalt  }
0x49: {  	_ =	shalt  }
0x4a: {  	_ =	shalt  }
0x4b: {  	_ =	shalt  }
0x4c: {  	_ =	shalt  }
0x4d: {  	_ =	shalt  }
0x4e: {  	_ =	shalt  }
0x4f: {  	_ =	shalt  }
0x50: {  	_ =	shalt  }
0x51: {  	_ =	shalt  }
0x52: {  	_ =	shalt  }
0x53: {  	_ =	shalt  }
0x54: {  	_ =	shalt  }
0x55: {  	_ =	shalt  }
0x56: {  	_ =	shalt  }
0x57: {  	_ =	shalt  }
0x58: {  	_ =	shalt  }
0x59: {  	_ =	shalt  }
0x5a: {  	_ =	shalt  }
0x5b: {  	_ =	shalt  }
0x5c: {  	_ =	shalt  }
0x5d: {  	_ =	shalt  }
0x5e: {  	_ =	shalt  }
0x5f: {  	_ =	shalt  }
0x60: {  	_ =	shalt  }
0x61: {  	_ =	shalt  }
0x62: {  	_ =	shalt  }
0x63: {  	_ =	shalt  }
0x64: {  	_ =	shalt  }
0x65: {  	_ =	shalt  }
0x66: {  	_ =	shalt  }
0x67: {  	_ =	shalt  }
0x68: {  	_ =	shalt  }
0x69: {  	_ =	shalt  }
0x6a: {  	_ =	shalt  }
0x6b: {  	_ =	shalt  }
0x6c: {  	_ =	shalt  }
0x6d: {  	_ =	shalt  }
0x6e: {  	_ =	shalt  }
0x6f: {  	_ =	shalt  }
0x70: {  	_ =	shalt  }
0x71: {  	_ =	shalt  }
0x72: {  	_ =	shalt  }
0x73: {  	_ =	shalt  }
0x74: {  	_ =	shalt  }
0x75: {  	_ =	shalt  }
0x76: {  	_ =	shalt  }
0x77: {  	_ =	shalt  }
0x78: {  	_ =	shalt  }
0x79: {  	_ =	shalt  }
0x7a: {  	_ =	shalt  }
0x7b: {  	_ =	shalt  }
0x7c: {  	_ =	shalt  }
0x7d: {  	_ =	shalt  }
0x7e: {  	_ =	shalt  }
0x7f: {  	_ =	shalt  }
0x80: {  	_ =	shalt  }
0x81: {  	_ =	shalt  }
0x82: {  	_ =	shalt  }
0x83: {  	_ =	shalt  }
0x84: {  	_ =	shalt  }
0x85: {  	_ =	shalt  }
0x86: {  	_ =	shalt  }
0x87: {  	_ =	shalt  }
.Lfunc_end0:
.L_simem_size_0:
called_computation_lowered:
.L_overlay_start_0:
0x88: {  	s2 =	sld [smem:$0x3FD9]  }
0x89: {  	s3 =	sld [smem:$0x3FFE];
	_ =	sdelay $0x1  }
0x8a: {  	s1 =	srdreg.scid  }
0x8b: {  	s0 =	sand.u32 $0x1, s1  }
0x8c: {  	s17 =	sshll.u32 s0, $0xA;
	s2 =	sadd.s32 s3, s2  }
0x8d: {  	s2 =	sadd.s32 s2, s17  }
0x8e: {  	[smem:$0x3FC6] =	sst s2  }
0x8f: {  	_ = 	snop  }
0x90: {  	s2 =	sld [smem:$0x3FC9]  }
0x91: {  	s18 =	sld [smem:$0x3FC8];
	(tm) =	ssettm $0x1  }
0x92: {  	s4 =	sld [smem:$0x3FFB];
	_ =	sdelay $0x3  }
0x93: {  	_ =	strace s4  }
0x94: {  	s4 =	sld [smem:$0x3FFC];
	_ =	sdelay $0x3  }
0x95: {  	_ =	strace s4  }
0x96: {  	s4 =	sld [smem:$0x3FFD];
	_ =	sdelay $0x3  }
0x97: {  	_ =	strace s4  }
0x98: {  	_ =	strace $0x8FFFFFFF  }
0x99: {  	s19 =	sld [smem:$0x3FDB];
	_ =	sdelay $0x1  }
0x9a: {  	s5 =	simm.s32 $_scs_section_size  }
0x9b: {  	s6 =	simm.s32 $_size__tile_overlayer_lowered;
	s7 =	simm.s32 $_tile_overlayer_lowered  }
0x9c: {  	s22 =	simm.s32 $0x1BFF;
	s21 =	sshll.u32 s7, $0x1;
	s4 =	sadd.s32 s5, s19  }
0x9d: {  	s8 =	simm.s32 $0x0;
	s20 =	sshll.u32 s6, $0x1;
	s6 =	sadd.s32 s21, s4  }
0x9e: {  	[timem:s8], [sflag:s22] =	dma.local [hbm:s6], s20  }
0x9f: {  	_ =	swait.ge [sflag:s22], s20  }
0xa0: {  	s5 =	ssub.s32 $0x0, s20;
	[sflag:s22] =	ssyncset.done $0x0  }
0xa1: {  	[sflag:s22] =	ssyncadd.s32 s5;
	_ =	sdelay $0x1  }
0xa2: {  	s23 =	simm.s32 $0x1B8B  }
0xa3: {  	_ =	swait.ge [sflag:s23], $0x1  }
0xa4: {  	[sflag:s23] =	ssyncset.done $0x0  }
0xa5: {  	s25 =	simm.s32 $0x1B8E;
	s24 =	sld [smem:$0x3FFE];
	[sflag:s23] =	ssyncadd.s32 $0xFFFFFFFF  }
0xa6: {  	s26 =	simm.s32 $execute0_lowered;
	[smem:$0x3FD2] =	sst s25  }
0xa7: {  	s6 =	sshll.u32 s26, $0x1;
	_ =	strace $0x80000046;
	[dreg:$0x1] =	wrdreg $0xFFFFFFFF  }
0xa8: {  	s28 =	simm.s32 $_size_execute0_lowered;
	s4 =	sadd.s32 s4, s6;
	[dreg:$0x0] =	wrdreg $0x0  }
0xa9: {  	s6 =	sshll.u32 s28, $0x1;
	[dreg:$0x2] =	wrdreg s4  }
0xaa: {  	[dreg:$0x3] =	wrdreg s6  }
0xab: {  	[dreg:$0x4] =	wrdreg $0xC0  }
0xac: {  	_ =	task [dreg:s8], $0x5FFFF  }
0xad: {  	[dreg:$0x1] =	wrdreg $0xFFFFFFFF  }
0xae: {  	[dreg:$0x0] =	wrdreg $0x60  }
0xaf: {  	[dreg:$0x2] =	wrdreg s2  }
0xb0: {  	[dreg:$0x3] =	wrdreg s18  }
0xb1: {  	[dreg:$0x4] =	wrdreg s24  }
0xb2: {  	[dreg:$0x5] =	wrdreg $0x9  }
0xb3: {  	_ =	task.clear_ibuf [dreg:s8], $0x6FFFF;
	_ =	strace $0x90000046  }
0xb4: {  	s29 =	simm.s32 $0x9;
	_ =	strace $0x80000048  }
0xb5: {  	_ =	swait.ge [sflag:s29], $0x1  }
0xb6: {  	[sflag:s29] =	ssyncadd.s32 $0xFFFFFFFF  }
0xb7: {  	_ =	strace $0x90000048  }
0xb8: {  	_ =	sfence  }
0xb9: {  	s30 =	sld [smem:$0x0];
	_ =	sdelay $0x2  }
0xba: {  	s31 =	sshll.u32 s1, $0xD;
	s1 =	sshrl.u32 s1, $0x2  }
0xbb: {  	s3 =	sand.u32 $0x4000, s31;
	s1 =	sadd.s32 s1, s30  }
0xbc: {  	s0 =	sor.u32 s3, s0;
	s1 =	sshll.u32 s1, $0x11  }
0xbd: {  	s0 =	sor.u32 s1, s0  }
0xbe: {  	s0 =	sadd.s32 $0x8F2B, s0  }
0xbf: {  	[sflag:s0] =	ssyncadd.remote.s32 $0x1  }
0xc0: {  	_ =	sfence.sel $0xFFFF  }
0xc1: {  	[dreg:$0x0] =	wrdreg $0xFFFFFFFF;
	(pc) =	sbr.abs _section_cstart, $3  }
0xc2: {  	[dreg:$0x1] =	wrdreg $0xFFFFFFFF  }
0xc3: {  	_ =	task.clear_ibuf [dreg:s8], $0x2FFFF;
	_ =	strace $0x9FFFFFFF  }
0xc4: {  	(tm) =	ssettm $0x7FFFFFFF  }
0xc5: {  	_ =	shalt  }
tec
execute0_lowered:
.L_overlay_start_1:
0x0: {  	(tag) =	ssettag $0x1  }
0x1: {  	s3 =	rddreg [dreg:$0x0]  }
0x2: {  	s5 =	rddreg [dreg:$0x1];
	s0 =	stileid.u32  }
0x3: {  	s4 =	rddreg [dreg:$0x2];
	s2 =	srdreg.scid  }
0x4: {  	s1 =	rddreg [dreg:$0x3];
	s12 =	simm.s32 $0x0;
	s6 =	sshll.u32 s0, $0x1  }
0x5: {  	s7 =	sand.u32 $0x1, s2;
	s2 =	simm.s32 $0x0;
	s8 =	sshrl.u32 s0, $0x2  }
0x6: {  	s6 =	sand.u32 $0x6, s6;
	[smem:$0x7FF] =	sst s2;
	s10 =	sshll.u32 s8, $0xD  }
0x7: {  	s8 =	sshll.u32 s8, $0x15;
	s6 =	sor.u32 s7, s6;
	s7 =	ssub.s32 $0x2, s7  }
0x8: {  	_ =	strace $0x80000047;
	s9 =	sshll.u32 s6, $0x7;
	s11 =	sshrl.u32 s7, $0x1  }
0x9: {  	s28 =	smul.u32 $0x30, s6;
	s30 =	sshll.u32 s6, $0x4;
	s10 =	sor.u32 s10, s9  }
0xa: {  	s8 =	sor.u32 s8, s9;
	s7 =	ssub.s32 s7, s11;
	s9 =	simm.s32 $0x400  }
0xb: {  	s11 =	simm.s32 $0x800;
	s10 =	sshrl.u32 s10, $0x3;
	s29 =	sshrl.u32 s8, $0x3  }
0xc: {  	s31 =	sand.u32 $0x70, s28;
	s7 =	smax.u32 s7, $0x1;
	s8 =	simm.s32 $0x80  }
0xd: {  	s10 =	sadd.s32 s10, s4;
	s3 =	sadd.s32 s3, s29;
	s4 =	sadd.s32 s5, s30  }
0xe: {  	s5 =	sadd.s32 s5, s31;
	s6 =	sadd.s32 $0x600, s10;
	s10 =	simm.s32 $0x1  }
.LBB2_1:
0xf: {  	[tilespmem:s2], [sflag:$0x1] =	stream.strided.gather [hbm4b:s3+s8], $0x400, s9, s8, $0x38;
	[tilespmem:$0xC00] =	vst v63  }
0x10: {  	_ =	swait.ge [sflag:s10], $0x400  }
0x11: {  	[sflag:s10] =	ssyncset.done $0x0  }
0x12: {  	[sflag:s10] =	ssyncadd.s32 $0xFFFFFC00  }
0x13: {  	[tilespmem:s9], [sflag:$0x1] =	stream.strided.gather [hbm4b:s4+s8], $0x400, s9, s8, $0x38;
	[tilespmem:$0xC00] =	vst v63  }
0x14: {  	_ =	swait.ge [sflag:s10], $0x400  }
0x15: {  	[sflag:s10] =	ssyncset.done $0x0  }
0x16: {  	[sflag:s10] =	ssyncadd.s32 $0xFFFFFC00  }
0x17: {  	[tilespmem:s11], [sflag:$0x1] =	stream.strided.gather [hbm4b:s5+s8], $0x400, s9, s8, $0x38;
	[tilespmem:$0xC00] =	vst v63  }
0x18: {  	_ =	swait.ge [sflag:s10], $0x400  }
0x19: {  	[sflag:s10] =	ssyncset.done $0x0  }
0x1a: {  	s13 =	simm.s32 $0x20;
	[sflag:s10] =	ssyncadd.s32 $0xFFFFFC00  }
0x1b: {  	s14 =	simm.s32 $0x420;
	v2 =	vld [tilespmem:s13+$0x10]  }
0x1c: {  	v3 =	vld [tilespmem:s14+$0x10]  }
0x1d: {  	s15 =	simm.s32 $0x820;
	v0 =	vld [tilespmem:s14+$0xFFFFFFE0]  }
0x1e: {  	v4 =	vld [tilespmem:s15+$0x10]  }
0x1f: {  	v7 =	vld [tilespmem:s13+$0xFFFFFFF0]  }
0x20: {  	v8 =	vld [tilespmem:s14+$0xFFFFFFF0]  }
0x21: {  	v1 =	vld [tilespmem:s13+$0x0]  }
0x22: {  	v5 =	vld [tilespmem:s14+$0x0];
	v2 =	vadd.f32 v3, v2  }
0x23: {  	v6 =	vld [tilespmem:s13+$0xFFFFFFE0]  }
0x24: {  	v9 =	vadd.f32 v4, v2;
	v2 =	vld [tilespmem:s15+$0xFFFFFFE0]  }
0x25: {  	v4 =	vld [tilespmem:s15+$0xFFFFFFF0]  }
0x26: {  	s16 =	simm.s32 $0x0;
	s17 =	simm.s32 $0x60;
	v3 =	vadd.f32 v8, v7;
	v7 =	vld [tilespmem:s15+$0x0];
	[tilespmem:s13+$0x10] =	vst v9  }
.LBB2_2:
0x27: {  	v8 =	vld [tilespmem:s17+$0x10];
	v1 =	vadd.f32 v5, v1;
	s14 =	sadd.s32 $0x40, s14  }
0x28: {  	s16 =	sadd.s32 $0x4, s16;
	v5 =	vld [tilespmem:s14+$0x10];
	v6 =	vadd.f32 v0, v6  }
0x29: {  	s15 =	sadd.s32 $0x40, s15;
	p0 =	slt.u32 s16, $0x3C;
	v0 =	vld [tilespmem:s14+$0xFFFFFFE0]  }
0x2a: {  	v9 =	vld [tilespmem:s15+$0x10];
	v2 =	vadd.f32 v2, v6;
	v3 =	vadd.f32 v4, v3  }
0x2b: {  	v4 =	vld [tilespmem:s17+$0xFFFFFFF0];
	v6 =	vadd.f32 v7, v1  }
0x2c: {  	v7 =	vld [tilespmem:s14+$0xFFFFFFF0];
	[tilespmem:s13+$0xFFFFFFE0] =	vst v2  }
0x2d: {  	v1 =	vld [tilespmem:s17+$0x0];
	v2 =	vadd.f32 v5, v8;
	[tilespmem:s13+$0xFFFFFFF0] =	vst v3  }
.Ltmp0:
0x2e: {  	v5 =	vld [tilespmem:s14+$0x0];
	[tilespmem:s13+$0x0] =	vst v6;
	s13 =	smov.u32 s17;
	(pc) =	sbr.rel @p0 .LBB2_2-.Ltmp0, $4  }
0x2f: {  	v6 =	vld [tilespmem:s17+$0xFFFFFFE0];
	v8 =	vadd.f32 v9, v2  }
0x30: {  	v2 =	vld [tilespmem:s15+$0xFFFFFFE0]  }
0x31: {  	v3 =	vadd.f32 v7, v4;
	v4 =	vld [tilespmem:s15+$0xFFFFFFF0];
	[tilespmem:s17+$0x10] =	vst v8  }
0x32: {  	s17 =	sadd.s32 $0x40, s17;
	v7 =	vld [tilespmem:s15+$0x0]  }
0x33: {  	_ = 	snop  }
0x34: {  	v0 =	vadd.f32 v0, v6;
	_ =	sdelay $0x1  }
0x35: {  	v1 =	vadd.f32 v5, v1;
	v0 =	vadd.f32 v2, v0  }
0x36: {  	v63 =	vadd.f32 v4, v3  }
0x37: {  	s12 =	sadd.s32 $0x1, s12;
	v1 =	vadd.f32 v7, v1;
	[tilespmem:s13+$0xFFFFFFE0] =	vst v0  }
0x38: {  	p0 =	sne.s32 s12, s7;
	[tilespmem:s13+$0xFFFFFFF0] =	vst v63  }
.Ltmp1:
0x39: {  	[tilespmem:s13+$0x0] =	vst v1;
	(pc) =	sbr.rel @p0 .LBB2_1-.Ltmp1, $4  }
0x3a: {  	[hbm4b:s6+s8] =	stream.strided.scatter [tilespmem:s2], [sflag:$0x1], $0x400, s9, s8, $0x38;
	[tilespmem:$0xC00] =	vst v63  }
0x3b: {  	_ =	swait.ge [sflag:s10], $0x400  }
0x3c: {  	[sflag:s10] =	ssyncset.done $0x0  }
0x3d: {  	[sflag:s10] =	ssyncadd.s32 $0xFFFFFC00  }
0x3e: {  	_ =	sfence.sel $0x180000  }
0x3f: {  	[bflag:$0x0] =	sbarrier.arrive $0xFFFF  }
0x40: {  	p0 =	sne.s32 s0, $0x0;
	_ =	strace $0x90000047  }
0x41: {  	s0 =	sadd.s32 @!p0 $0x100000, s1;
	[bflag:$0x2] =	sbarrier.arrive $0xFFFF  }
0x42: {  	[sflag:s0] =	ssyncadd.tile.s32 @!p0 $0x1;
	_ =	shalt  }
.Lfunc_end2:
_tile_overlayer_lowered:
.L_overlay_start_2:
0x43: {  	(tag) =	ssettag $0x2  }
0x44: {  	s0 =	rddreg [dreg:$0x0];
	s2 =	stileid.u32  }
0x45: {  	s1 =	rddreg [dreg:$0x1];
	p0 =	sne.s32 s2, $0x0  }
0x46: {  	s3 =	rddreg [dreg:$0x2];
	[bflag:$0x3] =	sbarrier.arrive $0xFFFF;
	s2 =	simm.s32 @!p0 $0x1C01  }
0x47: {  	[timem:s3], [sflag:s2] =	dma.local @!p0 [hbm:s0], s1  }
0x48: {  	s0 =	simm.s32 @!p0 $0x1  }
0x49: {  	_ =	swait.ge @!p0 [sflag:s0], s1  }
0x4a: {  	s1 =	ssub.s32 @!p0 $0x0, s1;
	[sflag:s0] =	ssyncset.done @!p0 $0x0  }
0x4b: {  	[sflag:s0] =	ssyncadd.s32 @!p0 s1  }
0x4c: {  	[bflag:$0x3] =	sbarrier.arrive $0xFFFF  }
0x4d: {  	_ =	shalt  }

</sc_bundles>
